<compile_context>
chip_gen: v7x
topology: tpu7x:2x2x1
jax: 0.10.2.dev20260603
libtpu: 0.0.44.dev20260713+nightly
codegen_flags: <defaults>
</compile_context>

<pallas_src>
import functools

import jax
import jax.numpy as jnp
from jax import lax
from jax.experimental import pallas as pl
from jax.experimental.pallas import tpu as pltpu
from jax.experimental.pallas import tpu_sc as plsc

L = 16


def _lane_shuffle(x, idx):
    dn = lax.GatherDimensionNumbers(
        offset_dims=(), collapsed_slice_dims=(0,), start_index_map=(0,)
    )
    return lax.gather(
        x, idx[:, None], dn, slice_sizes=(1,),
        mode=lax.GatherScatterMode.PROMISE_IN_BOUNDS,
    )


def _make_sc_call(N, C):
    assert C % L == 0 and N % L == 0
    chunks_per_row = C // L
    rows_per_worker = N // L

    mesh = plsc.VectorSubcoreMesh(
        core_axis_name="c", subcore_axis_name="s", num_cores=1, num_subcores=L
    )

    @functools.partial(
        pl.kernel,
        out_type=jax.ShapeDtypeStruct((L,), jnp.float32),
        mesh=mesh,
        scratch_types=[
            pltpu.VMEM((rows_per_worker,), jnp.int32),
            pltpu.VMEM((rows_per_worker,), jnp.float32),
            pltpu.VMEM((rows_per_worker,), jnp.int32),
            pltpu.VMEM((rows_per_worker,), jnp.float32),
            pltpu.VMEM((L,), jnp.float32),
            pltpu.VMEM_SHARED((L,), jnp.float32),
            pltpu.VMEM((L,), jnp.int32),
            pltpu.VMEM((L,), jnp.float32),
            pltpu.SemaphoreType.DMA,
            pltpu.SemaphoreType.DMA,
            pltpu.SemaphoreType.DMA,
        ],
        compiler_params=pltpu.CompilerParams(skip_device_barrier=True),
    )
    def sc_fn(prob_hbm, tgt_hbm, rew_hbm, out_hbm,
              tgt_v, rew_v, idx_v, vals_v, part_v,
              shared, idx16_v, out_v, sem, sem_t, sem_r):
        sid = lax.axis_index("s")
        base = sid * rows_per_worker

        tgt_cp = pltpu.async_copy(
            tgt_hbm.at[pl.ds(base, rows_per_worker)], tgt_v, sem_t)
        rew_cp = pltpu.async_copy(
            rew_hbm.at[pl.ds(base, rows_per_worker)], rew_v, sem_r)

        iota = lax.iota(jnp.int32, L)
        idx16_v[...] = iota

        @pl.when(sid == 0)
        def _():
            out_v[...] = jnp.zeros((L,), jnp.float32)
            pltpu.sync_copy(out_v, shared)

        plsc.subcore_barrier()
        tgt_cp.wait()
        for g in range(rows_per_worker // L):
            t = tgt_v[pl.ds(g * L, L)]
            row = base + g * L + iota
            idx_v[pl.ds(g * L, L)] = (
                (t >> 3) * (8 * (N // 128) * 128)
                + (row >> 7) * 1024
                + ((t & 7) << 7)
                + (row & 127)
            )

        gat_cp = pltpu.async_copy(prob_hbm.at[idx_v], vals_v, sem)
        rew_cp.wait()
        gat_cp.wait()

        acc = jnp.zeros((L,), jnp.float32)
        for g in range(rows_per_worker // L):
            acc = acc + vals_v[pl.ds(g * L, L)] * rew_v[pl.ds(g * L, L)]

        part_v[...] = acc
        pltpu.sync_copy(part_v, shared.at[idx16_v], add=True)
        plsc.subcore_barrier()

        @pl.when(sid == 0)
        def _():
            pltpu.sync_copy(shared, part_v)
            tot = part_v[...]
            for sh in (1, 2, 4, 8):
                tot = tot + _lane_shuffle(tot, iota ^ sh)
            out_v[...] = -tot
            pltpu.sync_copy(out_v, out_hbm)

    return sc_fn


@jax.jit
def kernel(prob, target, reward):
    N, C = prob.shape
    prob_flat = (
        prob.T.reshape(C // 8, 8, N // 128, 128)
        .transpose(0, 2, 1, 3)
        .reshape(N * C)
    )
    tgt = target.astype(jnp.int32)
    rew = reward.astype(jnp.float32)
    out16 = _make_sc_call(N, C)(prob_flat, tgt, rew)
    return out16[0]

# --- scband reference (transcript-rebuilt; emitter-appended) ---
"""Pipeline reference for scband-ganloss-19155554140635 (READ-ONLY COPY).

The authoritative reference and input builder live on the scoring server;
editing this copy changes nothing except your own understanding.
"""

import jax, jax.numpy as jnp
import numpy as np


def setup_inputs(seed: int = 0) -> dict:
    key = jax.random.key(seed)
    k1, k2, k3 = jax.random.split(key, 3)
    N, C = 1024, 100000
    prob = jax.random.normal(k1, (N, C), dtype=jnp.float32)
    target = jax.random.randint(k2, (N,), 0, C, dtype=jnp.int64)
    reward = jax.random.uniform(k3, (N,), dtype=jnp.float32)
    return {"prob": prob, "target": target, "reward": reward}


def reference(prob, target, reward):
    # Faithful translation of GANLoss.forward_reinforce:
    #   one_hot scatter + masked_select == gather of prob[i, target[i]]
    picked = jnp.take_along_axis(prob, target[:, None].astype(jnp.int32), axis=1)[:, 0]
    loss = picked * reward
    loss = -jnp.sum(loss)
    return loss

if __name__ == "__main__":
    import jax
    _d = setup_inputs()
    print(jax.jit(kernel)(*tuple(_d.values())))

</pallas_src>

<mosaic_0001>
#map = affine_map<(d0, d1) -> (0)>
module attributes {stable_mosaic.version = 14 : i64} {
  func.func @sc_fn(%arg0: i32, %arg1: i32, %arg2: memref<102400000xf32, #tpu.memory_space<hbm>>, %arg3: memref<1024xi32, #tpu.memory_space<hbm>>, %arg4: memref<1024xf32, #tpu.memory_space<hbm>>, %arg5: memref<16xf32, #tpu.memory_space<hbm>>, %arg6: memref<64xi32, #tpu.memory_space<vmem>>, %arg7: memref<64xf32, #tpu.memory_space<vmem>>, %arg8: memref<64xi32, #tpu.memory_space<vmem>>, %arg9: memref<64xf32, #tpu.memory_space<vmem>>, %arg10: memref<16xf32, #tpu.memory_space<vmem>>, %arg11: memref<16xf32, #tpu.memory_space<vmem_shared>>, %arg12: memref<16xi32, #tpu.memory_space<vmem>>, %arg13: memref<16xf32, #tpu.memory_space<vmem>>, %arg14: memref<!tpu.dma_semaphore, #tpu.memory_space<semaphore_mem>>, %arg15: memref<!tpu.dma_semaphore, #tpu.memory_space<semaphore_mem>>, %arg16: memref<!tpu.dma_semaphore, #tpu.memory_space<semaphore_mem>>) attributes {dimension_semantics = [#tpu.dimension_semantics<core_parallel>, #tpu.dimension_semantics<subcore_parallel>], iteration_bounds = array<i64: 1, 16>, scalar_prefetch = 0 : i64, scratch_operands = 11 : i64, tpu.core_type = #tpu.core_type<sc_vector_subcore>, window_params = [{transform_indices = #map}, {transform_indices = #map}, {transform_indices = #map}, {transform_indices = #map}]} {
    %mul3A = arith.constant 64 : i32
    %mul3A_0 = arith.muli %arg1, %mul3A : i32
    %dma_start3A = tpu.memref_slice %arg3[%mul3A_0] : memref<1024xi32, #tpu.memory_space<hbm>> -> memref<64xi32, #tpu.memory_space<hbm>>
    %dma_start3A_1 = tpu.memref_slice %arg3[%mul3A_0] : memref<1024xi32, #tpu.memory_space<hbm>> -> memref<64xi32, #tpu.memory_space<hbm>>
    tpu.enqueue_dma source(%dma_start3A_1 : memref<64xi32, #tpu.memory_space<hbm>>) target(%arg6 : memref<64xi32, #tpu.memory_space<vmem>>) target_semaphore(%arg15 : memref<!tpu.dma_semaphore, #tpu.memory_space<semaphore_mem>>)
    %dma_start3A_2 = tpu.memref_slice %arg4[%mul3A_0] : memref<1024xf32, #tpu.memory_space<hbm>> -> memref<64xf32, #tpu.memory_space<hbm>>
    %dma_start3A_3 = tpu.memref_slice %arg4[%mul3A_0] : memref<1024xf32, #tpu.memory_space<hbm>> -> memref<64xf32, #tpu.memory_space<hbm>>
    tpu.enqueue_dma source(%dma_start3A_3 : memref<64xf32, #tpu.memory_space<hbm>>) target(%arg7 : memref<64xf32, #tpu.memory_space<vmem>>) target_semaphore(%arg16 : memref<!tpu.dma_semaphore, #tpu.memory_space<semaphore_mem>>)
    %iota3A = tpu.iota {dimensions = array<i32: 0>} : vector<16xi32>
    %swap3A = arith.constant 0 : index
    %swap3A_4 = tpu.vector_load %arg12[%swap3A] {strides = array<i32>} : memref<16xi32, #tpu.memory_space<vmem>>, vector<16xi32>,
    %swap3A_5 = vector.shape_cast %swap3A_4 : vector<16xi32> to vector<16xi32>
    %swap3A_6 = vector.shape_cast %iota3A : vector<16xi32> to vector<16xi32>
    tpu.vector_store %arg12[%swap3A], %swap3A_6 {strides = array<i32>} : memref<16xi32, #tpu.memory_space<vmem>>, vector<16xi32>,
    %eq3A = arith.constant 0 : i32
    %eq3A_7 = arith.cmpi eq, %arg1, %eq3A : i32
    %convert_element_type3A = arith.extui %eq3A_7 : i1 to i32
    %cond3A = arith.constant 0 : i32
    %cond3A_8 = arith.cmpi ne, %convert_element_type3A, %cond3A : i32
    scf.if %cond3A_8 {
      %broadcast_in_dim3A_194 = arith.constant 0.000000e+00 : f32
      %broadcast_in_dim3A_195 = vector.broadcast %broadcast_in_dim3A_194 : f32 to vector<16xf32>
      %swap3A_196 = arith.constant 0 : index
      %swap3A_197 = tpu.vector_load %arg13[%swap3A_196] {strides = array<i32>} : memref<16xf32, #tpu.memory_space<vmem>>, vector<16xf32>,
      %swap3A_198 = vector.shape_cast %swap3A_197 : vector<16xf32> to vector<16xf32>
      %swap3A_199 = vector.shape_cast %broadcast_in_dim3A_195 : vector<16xf32> to vector<16xf32>
      tpu.vector_store %arg13[%swap3A_196], %swap3A_199 {strides = array<i32>} : memref<16xf32, #tpu.memory_space<vmem>>, vector<16xf32>,
      "tpu.region"() ({
        %run_scoped3A = tpu.sem_alloc : memref<!tpu.dma_semaphore, #tpu.memory_space<semaphore_mem>>
        tpu.enqueue_dma source(%arg13 : memref<16xf32, #tpu.memory_space<vmem>>) target(%arg11 : memref<16xf32, #tpu.memory_space<vmem_shared>>) target_semaphore(%run_scoped3A : memref<!tpu.dma_semaphore, #tpu.memory_space<semaphore_mem>>)
        tpu.wait_dma2 semaphore(%run_scoped3A : memref<!tpu.dma_semaphore, #tpu.memory_space<semaphore_mem>>) src(%arg13 : memref<16xf32, #tpu.memory_space<vmem>>) dst(%arg11 : memref<16xf32, #tpu.memory_space<vmem_shared>>)
        tpu.yield
      }) : () -> ()
    } else {
    }
    %barrier3A = arith.constant 0 : index
    tpu.barrier barrier_id(%barrier3A)
    %dma_wait3A = tpu.memref_slice %arg3[%mul3A_0] : memref<1024xi32, #tpu.memory_space<hbm>> -> memref<64xi32, #tpu.memory_space<hbm>>
    %dma_wait3A_9 = tpu.memref_slice %arg3[%mul3A_0] : memref<1024xi32, #tpu.memory_space<hbm>> -> memref<64xi32, #tpu.memory_space<hbm>>
    tpu.wait_dma2 semaphore(%arg15 : memref<!tpu.dma_semaphore, #tpu.memory_space<semaphore_mem>>) src(%dma_wait3A_9 : memref<64xi32, #tpu.memory_space<hbm>>) dst(%arg6 : memref<64xi32, #tpu.memory_space<vmem>>)
    %get3A = arith.constant 0 : index
    %get3A_10 = tpu.vector_load %arg6[%get3A] {strides = array<i32>} : memref<64xi32, #tpu.memory_space<vmem>>, vector<16xi32>,
    %get3A_11 = vector.shape_cast %get3A_10 : vector<16xi32> to vector<16xi32>
    %add3A = arith.constant 0 : i32
    %add3A_12 = arith.addi %mul3A_0, %add3A : i32
    %add3A_13 = vector.broadcast %add3A_12 : i32 to vector<16xi32>
    %add3A_14 = arith.addi %add3A_13, %iota3A : vector<16xi32>
    %shift_right_arithmetic3A = arith.constant 3 : i32
    %shift_right_arithmetic3A_15 = vector.broadcast %shift_right_arithmetic3A : i32 to vector<16xi32>
    %shift_right_arithmetic3A_16 = arith.shrsi %get3A_11, %shift_right_arithmetic3A_15 : vector<16xi32>
    %mul3A_17 = arith.constant 8192 : i32
    %mul3A_18 = vector.broadcast %mul3A_17 : i32 to vector<16xi32>
    %mul3A_19 = arith.muli %shift_right_arithmetic3A_16, %mul3A_18 : vector<16xi32>
    %shift_right_arithmetic3A_20 = arith.constant 7 : i32
    %shift_right_arithmetic3A_21 = vector.broadcast %shift_right_arithmetic3A_20 : i32 to vector<16xi32>
    %shift_right_arithmetic3A_22 = arith.shrsi %add3A_14, %shift_right_arithmetic3A_21 : vector<16xi32>
    %mul3A_23 = arith.constant 1024 : i32
    %mul3A_24 = vector.broadcast %mul3A_23 : i32 to vector<16xi32>
    %mul3A_25 = arith.muli %shift_right_arithmetic3A_22, %mul3A_24 : vector<16xi32>
    %add3A_26 = arith.addi %mul3A_19, %mul3A_25 : vector<16xi32>
    %and3A = arith.constant 7 : i32
    %and3A_27 = vector.broadcast %and3A : i32 to vector<16xi32>
    %and3A_28 = arith.andi %get3A_11, %and3A_27 : vector<16xi32>
    %shift_left3A = arith.constant 7 : i32
    %shift_left3A_29 = vector.broadcast %shift_left3A : i32 to vector<16xi32>
    %shift_left3A_30 = arith.shli %and3A_28, %shift_left3A_29 : vector<16xi32>
    %add3A_31 = arith.addi %add3A_26, %shift_left3A_30 : vector<16xi32>
    %and3A_32 = arith.constant 127 : i32
    %and3A_33 = vector.broadcast %and3A_32 : i32 to vector<16xi32>
    %and3A_34 = arith.andi %add3A_14, %and3A_33 : vector<16xi32>
    %add3A_35 = arith.addi %add3A_31, %and3A_34 : vector<16xi32>
    %swap3A_36 = arith.constant 0 : index
    %swap3A_37 = tpu.vector_load %arg8[%swap3A_36] {strides = array<i32>} : memref<64xi32, #tpu.memory_space<vmem>>, vector<16xi32>,
    %swap3A_38 = vector.shape_cast %swap3A_37 : vector<16xi32> to vector<16xi32>
    %swap3A_39 = vector.shape_cast %add3A_35 : vector<16xi32> to vector<16xi32>
    tpu.vector_store %arg8[%swap3A_36], %swap3A_39 {strides = array<i32>} : memref<64xi32, #tpu.memory_space<vmem>>, vector<16xi32>,
    %get3A_40 = arith.constant 16 : index
    %get3A_41 = tpu.vector_load %arg6[%get3A_40] {strides = array<i32>} : memref<64xi32, #tpu.memory_space<vmem>>, vector<16xi32>,
    %get3A_42 = vector.shape_cast %get3A_41 : vector<16xi32> to vector<16xi32>
    %add3A_43 = arith.constant 16 : i32
    %add3A_44 = arith.addi %mul3A_0, %add3A_43 : i32
    %add3A_45 = vector.broadcast %add3A_44 : i32 to vector<16xi32>
    %add3A_46 = arith.addi %add3A_45, %iota3A : vector<16xi32>
    %shift_right_arithmetic3A_47 = arith.constant 3 : i32
    %shift_right_arithmetic3A_48 = vector.broadcast %shift_right_arithmetic3A_47 : i32 to vector<16xi32>
    %shift_right_arithmetic3A_49 = arith.shrsi %get3A_42, %shift_right_arithmetic3A_48 : vector<16xi32>
    %mul3A_50 = arith.constant 8192 : i32
    %mul3A_51 = vector.broadcast %mul3A_50 : i32 to vector<16xi32>
    %mul3A_52 = arith.muli %shift_right_arithmetic3A_49, %mul3A_51 : vector<16xi32>
    %shift_right_arithmetic3A_53 = arith.constant 7 : i32
    %shift_right_arithmetic3A_54 = vector.broadcast %shift_right_arithmetic3A_53 : i32 to vector<16xi32>
    %shift_right_arithmetic3A_55 = arith.shrsi %add3A_46, %shift_right_arithmetic3A_54 : vector<16xi32>
    %mul3A_56 = arith.constant 1024 : i32
    %mul3A_57 = vector.broadcast %mul3A_56 : i32 to vector<16xi32>
    %mul3A_58 = arith.muli %shift_right_arithmetic3A_55, %mul3A_57 : vector<16xi32>
    %add3A_59 = arith.addi %mul3A_52, %mul3A_58 : vector<16xi32>
    %and3A_60 = arith.constant 7 : i32
    %and3A_61 = vector.broadcast %and3A_60 : i32 to vector<16xi32>
    %and3A_62 = arith.andi %get3A_42, %and3A_61 : vector<16xi32>
    %shift_left3A_63 = arith.constant 7 : i32
    %shift_left3A_64 = vector.broadcast %shift_left3A_63 : i32 to vector<16xi32>
    %shift_left3A_65 = arith.shli %and3A_62, %shift_left3A_64 : vector<16xi32>
    %add3A_66 = arith.addi %add3A_59, %shift_left3A_65 : vector<16xi32>
    %and3A_67 = arith.constant 127 : i32
    %and3A_68 = vector.broadcast %and3A_67 : i32 to vector<16xi32>
    %and3A_69 = arith.andi %add3A_46, %and3A_68 : vector<16xi32>
    %add3A_70 = arith.addi %add3A_66, %and3A_69 : vector<16xi32>
    %swap3A_71 = arith.constant 16 : index
    %swap3A_72 = tpu.vector_load %arg8[%swap3A_71] {strides = array<i32>} : memref<64xi32, #tpu.memory_space<vmem>>, vector<16xi32>,
    %swap3A_73 = vector.shape_cast %swap3A_72 : vector<16xi32> to vector<16xi32>
    %swap3A_74 = vector.shape_cast %add3A_70 : vector<16xi32> to vector<16xi32>
    tpu.vector_store %arg8[%swap3A_71], %swap3A_74 {strides = array<i32>} : memref<64xi32, #tpu.memory_space<vmem>>, vector<16xi32>,
    %get3A_75 = arith.constant 32 : index
    %get3A_76 = tpu.vector_load %arg6[%get3A_75] {strides = array<i32>} : memref<64xi32, #tpu.memory_space<vmem>>, vector<16xi32>,
    %get3A_77 = vector.shape_cast %get3A_76 : vector<16xi32> to vector<16xi32>
    %add3A_78 = arith.constant 32 : i32
    %add3A_79 = arith.addi %mul3A_0, %add3A_78 : i32
    %add3A_80 = vector.broadcast %add3A_79 : i32 to vector<16xi32>
    %add3A_81 = arith.addi %add3A_80, %iota3A : vector<16xi32>
    %shift_right_arithmetic3A_82 = arith.constant 3 : i32
    %shift_right_arithmetic3A_83 = vector.broadcast %shift_right_arithmetic3A_82 : i32 to vector<16xi32>
    %shift_right_arithmetic3A_84 = arith.shrsi %get3A_77, %shift_right_arithmetic3A_83 : vector<16xi32>
    %mul3A_85 = arith.constant 8192 : i32
    %mul3A_86 = vector.broadcast %mul3A_85 : i32 to vector<16xi32>
    %mul3A_87 = arith.muli %shift_right_arithmetic3A_84, %mul3A_86 : vector<16xi32>
    %shift_right_arithmetic3A_88 = arith.constant 7 : i32
    %shift_right_arithmetic3A_89 = vector.broadcast %shift_right_arithmetic3A_88 : i32 to vector<16xi32>
    %shift_right_arithmetic3A_90 = arith.shrsi %add3A_81, %shift_right_arithmetic3A_89 : vector<16xi32>
    %mul3A_91 = arith.constant 1024 : i32
    %mul3A_92 = vector.broadcast %mul3A_91 : i32 to vector<16xi32>
    %mul3A_93 = arith.muli %shift_right_arithmetic3A_90, %mul3A_92 : vector<16xi32>
    %add3A_94 = arith.addi %mul3A_87, %mul3A_93 : vector<16xi32>
    %and3A_95 = arith.constant 7 : i32
    %and3A_96 = vector.broadcast %and3A_95 : i32 to vector<16xi32>
    %and3A_97 = arith.andi %get3A_77, %and3A_96 : vector<16xi32>
    %shift_left3A_98 = arith.constant 7 : i32
    %shift_left3A_99 = vector.broadcast %shift_left3A_98 : i32 to vector<16xi32>
    %shift_left3A_100 = arith.shli %and3A_97, %shift_left3A_99 : vector<16xi32>
    %add3A_101 = arith.addi %add3A_94, %shift_left3A_100 : vector<16xi32>
    %and3A_102 = arith.constant 127 : i32
    %and3A_103 = vector.broadcast %and3A_102 : i32 to vector<16xi32>
    %and3A_104 = arith.andi %add3A_81, %and3A_103 : vector<16xi32>
    %add3A_105 = arith.addi %add3A_101, %and3A_104 : vector<16xi32>
    %swap3A_106 = arith.constant 32 : index
    %swap3A_107 = tpu.vector_load %arg8[%swap3A_106] {strides = array<i32>} : memref<64xi32, #tpu.memory_space<vmem>>, vector<16xi32>,
    %swap3A_108 = vector.shape_cast %swap3A_107 : vector<16xi32> to vector<16xi32>
    %swap3A_109 = vector.shape_cast %add3A_105 : vector<16xi32> to vector<16xi32>
    tpu.vector_store %arg8[%swap3A_106], %swap3A_109 {strides = array<i32>} : memref<64xi32, #tpu.memory_space<vmem>>, vector<16xi32>,
    %get3A_110 = arith.constant 48 : index
    %get3A_111 = tpu.vector_load %arg6[%get3A_110] {strides = array<i32>} : memref<64xi32, #tpu.memory_space<vmem>>, vector<16xi32>,
    %get3A_112 = vector.shape_cast %get3A_111 : vector<16xi32> to vector<16xi32>
    %add3A_113 = arith.constant 48 : i32
    %add3A_114 = arith.addi %mul3A_0, %add3A_113 : i32
    %add3A_115 = vector.broadcast %add3A_114 : i32 to vector<16xi32>
    %add3A_116 = arith.addi %add3A_115, %iota3A : vector<16xi32>
    %shift_right_arithmetic3A_117 = arith.constant 3 : i32
    %shift_right_arithmetic3A_118 = vector.broadcast %shift_right_arithmetic3A_117 : i32 to vector<16xi32>
    %shift_right_arithmetic3A_119 = arith.shrsi %get3A_112, %shift_right_arithmetic3A_118 : vector<16xi32>
    %mul3A_120 = arith.constant 8192 : i32
    %mul3A_121 = vector.broadcast %mul3A_120 : i32 to vector<16xi32>
    %mul3A_122 = arith.muli %shift_right_arithmetic3A_119, %mul3A_121 : vector<16xi32>
    %shift_right_arithmetic3A_123 = arith.constant 7 : i32
    %shift_right_arithmetic3A_124 = vector.broadcast %shift_right_arithmetic3A_123 : i32 to vector<16xi32>
    %shift_right_arithmetic3A_125 = arith.shrsi %add3A_116, %shift_right_arithmetic3A_124 : vector<16xi32>
    %mul3A_126 = arith.constant 1024 : i32
    %mul3A_127 = vector.broadcast %mul3A_126 : i32 to vector<16xi32>
    %mul3A_128 = arith.muli %shift_right_arithmetic3A_125, %mul3A_127 : vector<16xi32>
    %add3A_129 = arith.addi %mul3A_122, %mul3A_128 : vector<16xi32>
    %and3A_130 = arith.constant 7 : i32
    %and3A_131 = vector.broadcast %and3A_130 : i32 to vector<16xi32>
    %and3A_132 = arith.andi %get3A_112, %and3A_131 : vector<16xi32>
    %shift_left3A_133 = arith.constant 7 : i32
    %shift_left3A_134 = vector.broadcast %shift_left3A_133 : i32 to vector<16xi32>
    %shift_left3A_135 = arith.shli %and3A_132, %shift_left3A_134 : vector<16xi32>
    %add3A_136 = arith.addi %add3A_129, %shift_left3A_135 : vector<16xi32>
    %and3A_137 = arith.constant 127 : i32
    %and3A_138 = vector.broadcast %and3A_137 : i32 to vector<16xi32>
    %and3A_139 = arith.andi %add3A_116, %and3A_138 : vector<16xi32>
    %add3A_140 = arith.addi %add3A_136, %and3A_139 : vector<16xi32>
    %swap3A_141 = arith.constant 48 : index
    %swap3A_142 = tpu.vector_load %arg8[%swap3A_141] {strides = array<i32>} : memref<64xi32, #tpu.memory_space<vmem>>, vector<16xi32>,
    %swap3A_143 = vector.shape_cast %swap3A_142 : vector<16xi32> to vector<16xi32>
    %swap3A_144 = vector.shape_cast %add3A_140 : vector<16xi32> to vector<16xi32>
    tpu.vector_store %arg8[%swap3A_141], %swap3A_144 {strides = array<i32>} : memref<64xi32, #tpu.memory_space<vmem>>, vector<16xi32>,
    %dma_start3A_145 = arith.constant 0 : i32
    %dma_start3A_146 = tpu.memref_slice %arg2[%dma_start3A_145] : memref<102400000xf32, #tpu.memory_space<hbm>> -> memref<102400000xf32, #tpu.memory_space<hbm>>
    tpu.enqueue_indirect_dma source(%dma_start3A_146 : memref<102400000xf32, #tpu.memory_space<hbm>>) target(%arg9 : memref<64xf32, #tpu.memory_space<vmem>>) offsets(%arg8 : memref<64xi32, #tpu.memory_space<vmem>>) semaphore(%arg14 : memref<!tpu.dma_semaphore, #tpu.memory_space<semaphore_mem>>)
    %dma_wait3A_147 = tpu.memref_slice %arg4[%mul3A_0] : memref<1024xf32, #tpu.memory_space<hbm>> -> memref<64xf32, #tpu.memory_space<hbm>>
    %dma_wait3A_148 = tpu.memref_slice %arg4[%mul3A_0] : memref<1024xf32, #tpu.memory_space<hbm>> -> memref<64xf32, #tpu.memory_space<hbm>>
    tpu.wait_dma2 semaphore(%arg16 : memref<!tpu.dma_semaphore, #tpu.memory_space<semaphore_mem>>) src(%dma_wait3A_148 : memref<64xf32, #tpu.memory_space<hbm>>) dst(%arg7 : memref<64xf32, #tpu.memory_space<vmem>>)
    %dma_wait3A_149 = arith.constant 0 : i32
    %dma_wait3A_150 = tpu.memref_slice %arg2[%dma_wait3A_149] : memref<102400000xf32, #tpu.memory_space<hbm>> -> memref<102400000xf32, #tpu.memory_space<hbm>>
    tpu.wait_indirect_dma semaphore(%arg14 : memref<!tpu.dma_semaphore, #tpu.memory_space<semaphore_mem>>) src(%dma_wait3A_150 : memref<102400000xf32, #tpu.memory_space<hbm>>) dst(%arg9 : memref<64xf32, #tpu.memory_space<vmem>>)
    %broadcast_in_dim3A = arith.constant 0.000000e+00 : f32
    %broadcast_in_dim3A_151 = vector.broadcast %broadcast_in_dim3A : f32 to vector<16xf32>
    %get3A_152 = arith.constant 0 : index
    %get3A_153 = tpu.vector_load %arg9[%get3A_152] {strides = array<i32>} : memref<64xf32, #tpu.memory_space<vmem>>, vector<16xf32>,
    %get3A_154 = vector.shape_cast %get3A_153 : vector<16xf32> to vector<16xf32>
    %get3A_155 = arith.constant 0 : index
    %get3A_156 = tpu.vector_load %arg7[%get3A_155] {strides = array<i32>} : memref<64xf32, #tpu.memory_space<vmem>>, vector<16xf32>,
    %get3A_157 = vector.shape_cast %get3A_156 : vector<16xf32> to vector<16xf32>
    %mul3A_158 = arith.mulf %get3A_154, %get3A_157 : vector<16xf32>
    %add3A_159 = arith.addf %broadcast_in_dim3A_151, %mul3A_158 : vector<16xf32>
    %get3A_160 = arith.constant 16 : index
    %get3A_161 = tpu.vector_load %arg9[%get3A_160] {strides = array<i32>} : memref<64xf32, #tpu.memory_space<vmem>>, vector<16xf32>,
    %get3A_162 = vector.shape_cast %get3A_161 : vector<16xf32> to vector<16xf32>
    %get3A_163 = arith.constant 16 : index
    %get3A_164 = tpu.vector_load %arg7[%get3A_163] {strides = array<i32>} : memref<64xf32, #tpu.memory_space<vmem>>, vector<16xf32>,
    %get3A_165 = vector.shape_cast %get3A_164 : vector<16xf32> to vector<16xf32>
    %mul3A_166 = arith.mulf %get3A_162, %get3A_165 : vector<16xf32>
    %add3A_167 = arith.addf %add3A_159, %mul3A_166 : vector<16xf32>
    %get3A_168 = arith.constant 32 : index
    %get3A_169 = tpu.vector_load %arg9[%get3A_168] {strides = array<i32>} : memref<64xf32, #tpu.memory_space<vmem>>, vector<16xf32>,
    %get3A_170 = vector.shape_cast %get3A_169 : vector<16xf32> to vector<16xf32>
    %get3A_171 = arith.constant 32 : index
    %get3A_172 = tpu.vector_load %arg7[%get3A_171] {strides = array<i32>} : memref<64xf32, #tpu.memory_space<vmem>>, vector<16xf32>,
    %get3A_173 = vector.shape_cast %get3A_172 : vector<16xf32> to vector<16xf32>
    %mul3A_174 = arith.mulf %get3A_170, %get3A_173 : vector<16xf32>
    %add3A_175 = arith.addf %add3A_167, %mul3A_174 : vector<16xf32>
    %get3A_176 = arith.constant 48 : index
    %get3A_177 = tpu.vector_load %arg9[%get3A_176] {strides = array<i32>} : memref<64xf32, #tpu.memory_space<vmem>>, vector<16xf32>,
    %get3A_178 = vector.shape_cast %get3A_177 : vector<16xf32> to vector<16xf32>
    %get3A_179 = arith.constant 48 : index
    %get3A_180 = tpu.vector_load %arg7[%get3A_179] {strides = array<i32>} : memref<64xf32, #tpu.memory_space<vmem>>, vector<16xf32>,
    %get3A_181 = vector.shape_cast %get3A_180 : vector<16xf32> to vector<16xf32>
    %mul3A_182 = arith.mulf %get3A_178, %get3A_181 : vector<16xf32>
    %add3A_183 = arith.addf %add3A_175, %mul3A_182 : vector<16xf32>
    %swap3A_184 = arith.constant 0 : index
    %swap3A_185 = tpu.vector_load %arg10[%swap3A_184] {strides = array<i32>} : memref<16xf32, #tpu.memory_space<vmem>>, vector<16xf32>,
    %swap3A_186 = vector.shape_cast %swap3A_185 : vector<16xf32> to vector<16xf32>
    %swap3A_187 = vector.shape_cast %add3A_183 : vector<16xf32> to vector<16xf32>
    tpu.vector_store %arg10[%swap3A_184], %swap3A_187 {strides = array<i32>} : memref<16xf32, #tpu.memory_space<vmem>>, vector<16xf32>,
    "tpu.region"() ({
      %run_scoped3A = tpu.sem_alloc : memref<!tpu.dma_semaphore, #tpu.memory_space<semaphore_mem>>
      %dma_start3A_194 = arith.constant 0 : i32
      %dma_start3A_195 = tpu.memref_slice %arg11[%dma_start3A_194] : memref<16xf32, #tpu.memory_space<vmem_shared>> -> memref<16xf32, #tpu.memory_space<vmem_shared>>
      tpu.enqueue_indirect_dma source(%arg10 : memref<16xf32, #tpu.memory_space<vmem>>) target(%dma_start3A_195 : memref<16xf32, #tpu.memory_space<vmem_shared>>) offsets(%arg12 : memref<16xi32, #tpu.memory_space<vmem>>) semaphore(%run_scoped3A : memref<!tpu.dma_semaphore, #tpu.memory_space<semaphore_mem>>) {add = true}
      %dma_wait3A_196 = arith.constant 0 : i32
      %dma_wait3A_197 = tpu.memref_slice %arg11[%dma_wait3A_196] : memref<16xf32, #tpu.memory_space<vmem_shared>> -> memref<16xf32, #tpu.memory_space<vmem_shared>>
      tpu.wait_indirect_dma semaphore(%run_scoped3A : memref<!tpu.dma_semaphore, #tpu.memory_space<semaphore_mem>>) src(%arg10 : memref<16xf32, #tpu.memory_space<vmem>>) dst(%dma_wait3A_197 : memref<16xf32, #tpu.memory_space<vmem_shared>>)
      tpu.yield
    }) : () -> ()
    %barrier3A_188 = arith.constant 0 : index
    tpu.barrier barrier_id(%barrier3A_188)
    %eq3A_189 = arith.constant 0 : i32
    %eq3A_190 = arith.cmpi eq, %arg1, %eq3A_189 : i32
    %convert_element_type3A_191 = arith.extui %eq3A_190 : i1 to i32
    %cond3A_192 = arith.constant 0 : i32
    %cond3A_193 = arith.cmpi ne, %convert_element_type3A_191, %cond3A_192 : i32
    scf.if %cond3A_193 {
      "tpu.region"() ({
        %run_scoped3A = tpu.sem_alloc : memref<!tpu.dma_semaphore, #tpu.memory_space<semaphore_mem>>
        tpu.enqueue_dma source(%arg11 : memref<16xf32, #tpu.memory_space<vmem_shared>>) target(%arg10 : memref<16xf32, #tpu.memory_space<vmem>>) target_semaphore(%run_scoped3A : memref<!tpu.dma_semaphore, #tpu.memory_space<semaphore_mem>>)
        tpu.wait_dma2 semaphore(%run_scoped3A : memref<!tpu.dma_semaphore, #tpu.memory_space<semaphore_mem>>) src(%arg11 : memref<16xf32, #tpu.memory_space<vmem_shared>>) dst(%arg10 : memref<16xf32, #tpu.memory_space<vmem>>)
        tpu.yield
      }) : () -> ()
      %get3A_194 = arith.constant 0 : index
      %get3A_195 = tpu.vector_load %arg10[%get3A_194] {strides = array<i32>} : memref<16xf32, #tpu.memory_space<vmem>>, vector<16xf32>,
      %get3A_196 = vector.shape_cast %get3A_195 : vector<16xf32> to vector<16xf32>
      %xor3A = arith.constant 1 : i32
      %xor3A_197 = vector.broadcast %xor3A : i32 to vector<16xi32>
      %xor3A_198 = arith.xori %iota3A, %xor3A_197 : vector<16xi32>
      %broadcast_in_dim3A_199 = vector.shape_cast %xor3A_198 : vector<16xi32> to vector<16x1xi32>
      %gather3A = vector.shape_cast %broadcast_in_dim3A_199 : vector<16x1xi32> to vector<16xi32>
      %gather3A_200 = tpu.dynamic_gather %get3A_196[%gather3A] in [0] : vector<16xf32>, vector<16xi32> -> vector<16xf32>
      %add3A_201 = arith.addf %get3A_196, %gather3A_200 : vector<16xf32>
      %xor3A_202 = arith.constant 2 : i32
      %xor3A_203 = vector.broadcast %xor3A_202 : i32 to vector<16xi32>
      %xor3A_204 = arith.xori %iota3A, %xor3A_203 : vector<16xi32>
      %broadcast_in_dim3A_205 = vector.shape_cast %xor3A_204 : vector<16xi32> to vector<16x1xi32>
      %gather3A_206 = vector.shape_cast %broadcast_in_dim3A_205 : vector<16x1xi32> to vector<16xi32>
      %gather3A_207 = tpu.dynamic_gather %add3A_201[%gather3A_206] in [0] : vector<16xf32>, vector<16xi32> -> vector<16xf32>
      %add3A_208 = arith.addf %add3A_201, %gather3A_207 : vector<16xf32>
      %xor3A_209 = arith.constant 4 : i32
      %xor3A_210 = vector.broadcast %xor3A_209 : i32 to vector<16xi32>
      %xor3A_211 = arith.xori %iota3A, %xor3A_210 : vector<16xi32>
      %broadcast_in_dim3A_212 = vector.shape_cast %xor3A_211 : vector<16xi32> to vector<16x1xi32>
      %gather3A_213 = vector.shape_cast %broadcast_in_dim3A_212 : vector<16x1xi32> to vector<16xi32>
      %gather3A_214 = tpu.dynamic_gather %add3A_208[%gather3A_213] in [0] : vector<16xf32>, vector<16xi32> -> vector<16xf32>
      %add3A_215 = arith.addf %add3A_208, %gather3A_214 : vector<16xf32>
      %xor3A_216 = arith.constant 8 : i32
      %xor3A_217 = vector.broadcast %xor3A_216 : i32 to vector<16xi32>
      %xor3A_218 = arith.xori %iota3A, %xor3A_217 : vector<16xi32>
      %broadcast_in_dim3A_219 = vector.shape_cast %xor3A_218 : vector<16xi32> to vector<16x1xi32>
      %gather3A_220 = vector.shape_cast %broadcast_in_dim3A_219 : vector<16x1xi32> to vector<16xi32>
      %gather3A_221 = tpu.dynamic_gather %add3A_215[%gather3A_220] in [0] : vector<16xf32>, vector<16xi32> -> vector<16xf32>
      %add3A_222 = arith.addf %add3A_215, %gather3A_221 : vector<16xf32>
      %neg3A = arith.constant 0.000000e+00 : f32
      %neg3A_223 = vector.broadcast %neg3A : f32 to vector<16xf32>
      %neg3A_224 = arith.subf %neg3A_223, %add3A_222 : vector<16xf32>
      %swap3A_225 = arith.constant 0 : index
      %swap3A_226 = tpu.vector_load %arg13[%swap3A_225] {strides = array<i32>} : memref<16xf32, #tpu.memory_space<vmem>>, vector<16xf32>,
      %swap3A_227 = vector.shape_cast %swap3A_226 : vector<16xf32> to vector<16xf32>
      %swap3A_228 = vector.shape_cast %neg3A_224 : vector<16xf32> to vector<16xf32>
      tpu.vector_store %arg13[%swap3A_225], %swap3A_228 {strides = array<i32>} : memref<16xf32, #tpu.memory_space<vmem>>, vector<16xf32>,
      "tpu.region"() ({
        %run_scoped3A = tpu.sem_alloc : memref<!tpu.dma_semaphore, #tpu.memory_space<semaphore_mem>>
        tpu.enqueue_dma source(%arg13 : memref<16xf32, #tpu.memory_space<vmem>>) target(%arg5 : memref<16xf32, #tpu.memory_space<hbm>>) target_semaphore(%run_scoped3A : memref<!tpu.dma_semaphore, #tpu.memory_space<semaphore_mem>>)
        tpu.wait_dma2 semaphore(%run_scoped3A : memref<!tpu.dma_semaphore, #tpu.memory_space<semaphore_mem>>) src(%arg13 : memref<16xf32, #tpu.memory_space<vmem>>) dst(%arg5 : memref<16xf32, #tpu.memory_space<hbm>>)
        tpu.yield
      }) : () -> ()
    } else {
    }
    return
  }
}

</mosaic_0001>

<sc_bundles>
// kernel: kernel.3.cloned.1.call-start
scs
__scs_entry_jumppad:
0x0: {  	(pc) =	sbr.rel $0x88, $3  }
0x1: {  	(tag) =	ssettag $0x0;
	lr =	simm.s32 $0x1  }
0x2: {  	[smem:$0x3F9E] =	sst lr;
	_ =	strace $0xD0000000  }
0x3: {  	_ = 	snop  }
0x4: {  	_ = 	snop  }
0x5: {  	_ = 	snop  }
0x6: {  	_ = 	snop  }
0x7: {  	_ = 	snop  }
__scs_overlays_trampoline_lowered:
0x8: {  	[smem:$0x3FAD] =	sst s0  }
0x9: {  	[smem:$0x3FAE] =	sst s1  }
0xa: {  	[smem:$0x3FAF] =	sst s2  }
0xb: {  	[smem:$0x3FB0] =	sst s3  }
0xc: {  	[smem:$0x3FB1] =	sst s4  }
0xd: {  	[smem:$0x3FB2] =	sst s5  }
0xe: {  	[smem:$0x3FB3] =	sst s6  }
0xf: {  	[smem:$0x3FB4] =	sst s7  }
0x10: {  	[smem:$0x3FB5] =	sst s8  }
0x11: {  	[smem:$0x3FB6] =	sst s9;
	s0 =	simm.s32 @!p0 $0x0  }
0x12: {  	s1 =	sld [smem:$0x3F9C];
	s0 =	simm.s32 @p0 $0x1  }
0x13: {  	[smem:$0x3FB7] =	sst s0;
	s0 =	simm.s32 @!p1 $0x0  }
0x14: {  	s2 =	sld [smem:$0x3F9B];
	s0 =	simm.s32 @p1 $0x1  }
0x15: {  	[smem:$0x3FB8] =	sst s0;
	s0 =	simm.s32 @!p2 $0x0  }
0x16: {  	s3 =	sld [smem:$0x3FDB];
	s0 =	simm.s32 @p2 $0x1  }
0x17: {  	s4 =	simm.s32 $0x1BF5;
	[smem:$0x3FBA] =	sst s0  }
0x18: {  	s0 =	sld [smem:$0x3F9D];
	_ =	swait.ge [sflag:s4], $0x0  }
0x19: {  	s7 =	sld [smem:$0x3F9E]  }
0x1a: {  	s8 =	sadd.s32 $0xFFFFE003, lr  }
0x1b: {  	s9 =	sadd.s32 $0xFFFFFEF7, lr;
	s5 =	simm.s32 $0xFFFFFFFF;
	p2 =	slt.u32 s8, $0xFFFFF086  }
0x1c: {  	p1 =	slt.u32 s9, $0xF7A;
	s5 =	simm.s32 @!p2 $0x0  }
0x1d: {  	s5 =	simm.s32 @p1 $0x1;
	p0 =	seq.s32 s7, s2  }
0x1e: {  	s7 =	smul.u32 @!p0 $0xF7A, s2;
	p2 =	seq.s32 @!p0 s5, $0x0  }
0x1f: {  	s9 =	smul.u32 $0xF7A, s1;
	s8 =	simm.s32 @!p0 $0x1BF5;
	p2 =	por !p2, p0  }
0x20: {  	[sflag:s8] =	ssyncset.s32 @!p0 $0xFFFFF086;
	s6 =	sadd.s32 @!p0 s3, s7;
	s7 =	simm.s32 @!p0 $0x108  }
0x21: {  	s3 =	sadd.s32 s3, s9;
	s6 =	sadd.s32 @!p0 $0x88, s6;
	s7 =	simm.s32 @p2 $0x1082  }
0x22: {  	[simem:s7], [sflag:s8] =	dma.local @!p0 [hbm:s6], $0xF7A  }
0x23: {  	s9 =	sor.u32 $0xD0000000, s2;
	s6 =	simm.s32 $0x108;
	_ =	swait.ge @!p0 [sflag:s8], $0x0  }
0x24: {  	s3 =	sadd.s32 $0x88, s3;
	s6 =	simm.s32 @!p1 $0x1082;
	[sflag:s4] =	ssyncset.s32 $0xFFFFF086  }
0x25: {  	[simem:s6], [sflag:s4] =	dma.local [hbm:s3], $0xF7A  }
0x26: {  	[smem:$0x3F9E] =	sst s1;
	(tag) =	ssettag s2;
	_ =	strace s9  }
0x27: {  	s1 =	sld [smem:$0x3FAE]  }
0x28: {  	s2 =	sld [smem:$0x3FAF]  }
0x29: {  	s4 =	sld [smem:$0x3FB1]  }
0x2a: {  	p0 =	seq.s32 s5, $0x0;
	s5 =	sld [smem:$0x3FB2]  }
0x2b: {  	s6 =	sld [smem:$0x3FB3]  }
0x2c: {  	s7 =	sld [smem:$0x3FB4]  }
0x2d: {  	s3 =	simm.s32 $0x108;
	s8 =	sld [smem:$0x3FB5]  }
0x2e: {  	s3 =	simm.s32 @!p0 $0x1082;
	s9 =	sld [smem:$0x3FB6]  }
0x2f: {  	lr =	sadd.s32 s0, s3;
	s0 =	sld [smem:$0x3FAD]  }
0x30: {  	s3 =	sld [smem:$0x3FB0]  }
0x31: {  	[smem:$0x3FB9] =	sst s10  }
0x32: {  	s10 =	sld [smem:$0x3FB7];
	_ =	sdelay $0x3  }
0x33: {  	p0 =	seq.s32 s10, $0x1;
	s10 =	sld [smem:$0x3FB9];
	_ =	sdelay $0x3  }
0x34: {  	[smem:$0x3FB9] =	sst s10  }
0x35: {  	s10 =	sld [smem:$0x3FB8];
	_ =	sdelay $0x3  }
0x36: {  	p1 =	seq.s32 s10, $0x1;
	s10 =	sld [smem:$0x3FB9];
	_ =	sdelay $0x3  }
0x37: {  	[smem:$0x3FB9] =	sst s10  }
0x38: {  	s10 =	sld [smem:$0x3FBA]  }
0x39: {  	_ = 	snop;
	(pc) =	sbr.ind lr, $3  }
0x3a: {  	_ = 	snop  }
0x3b: {  	_ = 	snop  }
0x3c: {  	p2 =	seq.s32 s10, $0x1;
	s10 =	sld [smem:$0x3FB9]  }
0x3d: {  	_ =	shalt  }
0x3e: {  	_ =	shalt  }
0x3f: {  	_ =	shalt  }
0x40: {  	_ =	shalt  }
0x41: {  	_ =	shalt  }
0x42: {  	_ =	shalt  }
0x43: {  	_ =	shalt  }
0x44: {  	_ =	shalt  }
0x45: {  	_ =	shalt  }
0x46: {  	_ =	shalt  }
0x47: {  	_ =	shalt  }
0x48: {  	_ =	shalt  }
0x49: {  	_ =	shalt  }
0x4a: {  	_ =	shalt  }
0x4b: {  	_ =	shalt  }
0x4c: {  	_ =	shalt  }
0x4d: {  	_ =	shalt  }
0x4e: {  	_ =	shalt  }
0x4f: {  	_ =	shalt  }
0x50: {  	_ =	shalt  }
0x51: {  	_ =	shalt  }
0x52: {  	_ =	shalt  }
0x53: {  	_ =	shalt  }
0x54: {  	_ =	shalt  }
0x55: {  	_ =	shalt  }
0x56: {  	_ =	shalt  }
0x57: {  	_ =	shalt  }
0x58: {  	_ =	shalt  }
0x59: {  	_ =	shalt  }
0x5a: {  	_ =	shalt  }
0x5b: {  	_ =	shalt  }
0x5c: {  	_ =	shalt  }
0x5d: {  	_ =	shalt  }
0x5e: {  	_ =	shalt  }
0x5f: {  	_ =	shalt  }
0x60: {  	_ =	shalt  }
0x61: {  	_ =	shalt  }
0x62: {  	_ =	shalt  }
0x63: {  	_ =	shalt  }
0x64: {  	_ =	shalt  }
0x65: {  	_ =	shalt  }
0x66: {  	_ =	shalt  }
0x67: {  	_ =	shalt  }
0x68: {  	_ =	shalt  }
0x69: {  	_ =	shalt  }
0x6a: {  	_ =	shalt  }
0x6b: {  	_ =	shalt  }
0x6c: {  	_ =	shalt  }
0x6d: {  	_ =	shalt  }
0x6e: {  	_ =	shalt  }
0x6f: {  	_ =	shalt  }
0x70: {  	_ =	shalt  }
0x71: {  	_ =	shalt  }
0x72: {  	_ =	shalt  }
0x73: {  	_ =	shalt  }
0x74: {  	_ =	shalt  }
0x75: {  	_ =	shalt  }
0x76: {  	_ =	shalt  }
0x77: {  	_ =	shalt  }
0x78: {  	_ =	shalt  }
0x79: {  	_ =	shalt  }
0x7a: {  	_ =	shalt  }
0x7b: {  	_ =	shalt  }
0x7c: {  	_ =	shalt  }
0x7d: {  	_ =	shalt  }
0x7e: {  	_ =	shalt  }
0x7f: {  	_ =	shalt  }
0x80: {  	_ =	shalt  }
0x81: {  	_ =	shalt  }
0x82: {  	_ =	shalt  }
0x83: {  	_ =	shalt  }
0x84: {  	_ =	shalt  }
0x85: {  	_ =	shalt  }
0x86: {  	_ =	shalt  }
0x87: {  	_ =	shalt  }
.Lfunc_end0:
.L_simem_size_0:
called_computation_lowered:
.L_overlay_start_0:
0x88: {  	s0 =	sld [smem:$0x3FD9]  }
0x89: {  	s1 =	sld [smem:$0x3FFE];
	_ =	sdelay $0x3  }
0x8a: {  	s0 =	sadd.s32 s1, s0  }
0x8b: {  	[smem:$0x3FC5] =	sst s0  }
0x8c: {  	_ = 	snop  }
0x8d: {  	s0 =	sld [smem:$0x3FC9]  }
0x8e: {  	s17 =	sld [smem:$0x3FC8]  }
0x8f: {  	s2 =	sld [smem:$0x3FC7]  }
0x90: {  	s3 =	sld [smem:$0x3FD0];
	(tm) =	ssettm $0x1  }
0x91: {  	s4 =	sld [smem:$0x3FFB];
	_ =	sdelay $0x3  }
0x92: {  	_ =	strace s4  }
0x93: {  	s4 =	sld [smem:$0x3FFC];
	_ =	sdelay $0x3  }
0x94: {  	_ =	strace s4  }
0x95: {  	s4 =	sld [smem:$0x3FFD];
	_ =	sdelay $0x3  }
0x96: {  	_ =	strace s4  }
0x97: {  	_ =	strace $0x8FFFFFFF  }
0x98: {  	s18 =	sld [smem:$0x3FDB];
	_ =	sdelay $0x1  }
0x99: {  	s5 =	simm.s32 $_scs_section_size  }
0x9a: {  	s6 =	simm.s32 $_size__tile_overlayer_lowered;
	s7 =	simm.s32 $_tile_overlayer_lowered  }
0x9b: {  	s21 =	simm.s32 $0x1BFF;
	s20 =	sshll.u32 s7, $0x1;
	s4 =	sadd.s32 s5, s18  }
0x9c: {  	s8 =	simm.s32 $0x0;
	s19 =	sshll.u32 s6, $0x1;
	s6 =	sadd.s32 s20, s4  }
0x9d: {  	[timem:s8], [sflag:s21] =	dma.local [hbm:s6], s19  }
0x9e: {  	_ =	swait.ge [sflag:s21], s19  }
0x9f: {  	s5 =	ssub.s32 $0x0, s19;
	[sflag:s21] =	ssyncset.done $0x0  }
0xa0: {  	[sflag:s21] =	ssyncadd.s32 s5;
	_ =	sdelay $0x1  }
0xa1: {  	s22 =	simm.s32 $0x1B8B  }
0xa2: {  	_ =	swait.ge [sflag:s22], $0x1  }
0xa3: {  	[sflag:s22] =	ssyncset.done $0x0  }
0xa4: {  	s23 =	simm.s32 $0x1B8E;
	[sflag:s22] =	ssyncadd.s32 $0xFFFFFFFF  }
0xa5: {  	s24 =	simm.s32 $execute0_lowered;
	[smem:$0x3FD2] =	sst s23  }
0xa6: {  	s5 =	sshll.u32 s24, $0x1;
	_ =	strace $0x80000046;
	[dreg:$0x1] =	wrdreg $0xFFFFFFFF  }
0xa7: {  	s25 =	simm.s32 $_size_execute0_lowered;
	s4 =	sadd.s32 s4, s5;
	[dreg:$0x0] =	wrdreg $0x0  }
0xa8: {  	s5 =	sshll.u32 s25, $0x1;
	[dreg:$0x2] =	wrdreg s4  }
0xa9: {  	[dreg:$0x3] =	wrdreg s5  }
0xaa: {  	[dreg:$0x4] =	wrdreg $0xC0  }
0xab: {  	_ =	task [dreg:s8], $0x5FFFF  }
0xac: {  	[dreg:$0x1] =	wrdreg $0xFFFFFFFF  }
0xad: {  	[dreg:$0x0] =	wrdreg $0x60  }
0xae: {  	[dreg:$0x2] =	wrdreg s0  }
0xaf: {  	[dreg:$0x3] =	wrdreg s17  }
0xb0: {  	[dreg:$0x4] =	wrdreg s2  }
0xb1: {  	[dreg:$0x5] =	wrdreg s3  }
0xb2: {  	[dreg:$0x6] =	wrdreg $0x2800  }
0xb3: {  	[dreg:$0x7] =	wrdreg $0x9  }
0xb4: {  	_ =	task.clear_ibuf [dreg:s8], $0x8FFFF;
	_ =	strace $0x90000046  }
0xb5: {  	s26 =	simm.s32 $0x9;
	_ =	strace $0x80000048  }
0xb6: {  	_ =	swait.ge [sflag:s26], $0x1  }
0xb7: {  	[sflag:s26] =	ssyncadd.s32 $0xFFFFFFFF  }
0xb8: {  	_ =	strace $0x90000048  }
0xb9: {  	_ =	sfence  }
0xba: {  	s28 =	sld [smem:$0x0];
	_ =	sdelay $0x1  }
0xbb: {  	s29 =	srdreg.scid  }
0xbc: {  	s30 =	sshll.u32 s29, $0xD;
	s31 =	sshrl.u32 s29, $0x2  }
0xbd: {  	s1 =	sand.u32 $0x1, s29;
	s2 =	sand.u32 $0x4000, s30;
	s0 =	sadd.s32 s31, s28  }
0xbe: {  	s1 =	sor.u32 s2, s1;
	s0 =	sshll.u32 s0, $0x11  }
0xbf: {  	s0 =	sor.u32 s0, s1  }
0xc0: {  	s0 =	sadd.s32 $0x8F2B, s0  }
0xc1: {  	[sflag:s0] =	ssyncadd.remote.s32 $0x1  }
0xc2: {  	_ =	sfence.sel $0xFFFF  }
0xc3: {  	[dreg:$0x0] =	wrdreg $0xFFFFFFFF;
	(pc) =	sbr.abs _section_cstart, $3  }
0xc4: {  	[dreg:$0x1] =	wrdreg $0xFFFFFFFF  }
0xc5: {  	_ =	task.clear_ibuf [dreg:s8], $0x2FFFF;
	_ =	strace $0x9FFFFFFF  }
0xc6: {  	(tm) =	ssettm $0x7FFFFFFF  }
0xc7: {  	_ =	shalt  }
tec
execute0_lowered:
.L_overlay_start_1:
0x0: {  	(tag) =	ssettag $0x1  }
0x1: {  	s5 =	rddreg [dreg:$0x0]  }
0x2: {  	s2 =	rddreg [dreg:$0x1]  }
0x3: {  	s3 =	rddreg [dreg:$0x2]  }
0x4: {  	s1 =	rddreg [dreg:$0x3]  }
0x5: {  	s4 =	rddreg [dreg:$0x4];
	s6 =	simm.s32 $0x0;
	s7 =	stileid.u32  }
0x6: {  	[smem:$0x7FF] =	sst s6;
	s8 =	sshll.u32 s7, $0x3  }
0x7: {  	s0 =	rddreg [dreg:$0x5];
	_ =	strace $0x80000047;
	s2 =	sadd.s32 s2, s8  }
0x8: {  	[tilespmem:s6], [sflag:$0x2] =	stream.linear.gather [hbm4b:s2+s6], $0x40, $0x38;
	[tilespmem:$0x388] =	vst v63  }
0x9: {  	s17 =	simm.s32 $0x80;
	p0 =	sne.s32 s7, $0x0;
	s16 =	sadd.s32 s3, s8  }
0xa: {  	v0 =	vlaneseq.u32;
	[tilespmem:s17], [sflag:$0x3] =	stream.linear.gather [hbm4b:s16+s6], $0x40, $0x38;
	[tilespmem:$0x388] =	vst v63  }
0xb: {  	v1 =	vimm.f32 @!p0 $0.0e+00;
	[tilespmem:$0x288] =	vst v0  }
0xc: {  	s3 =	simm.s32 @!p0 $0x308;
	s2 =	simm.s32 @!p0 $0x4;
	[tilespmem:$0x308] =	vst @!p0 v1  }
0xd: {  	[spmem:s4] =	stream.linear.scatter @!p0 [tilespmem:s3], [sflag:$0x4], $0x80, $0x38;
	[tilespmem:$0x388] =	vst v63  }
0xe: {  	_ =	swait.ge @!p0 [sflag:s2], $0x80  }
0xf: {  	[sflag:s2] =	ssyncset.done @!p0 $0x0  }
0x10: {  	[sflag:s2] =	ssyncadd.s32 @!p0 $0xFFFFFF80  }
0x11: {  	s19 =	simm.s32 $0x2;
	[bflag:$0x0] =	sbarrier.arrive $0xFFFF  }
0x12: {  	s18 =	sshll.u32 s7, $0x6;
	_ =	swait.ge [sflag:s19], $0x40  }
0x13: {  	v40 =	vmov s18;
	s20 =	sor.u32 $0x10, s18;
	v2 =	vor.u32 s18, v0;
	[sflag:s19] =	ssyncset.done $0x0  }
0x14: {  	s21 =	sor.u32 $0x20, s18;
	v3 =	vmov s20;
	v2 =	vand.u32 $0x4F, v2;
	v4 =	vor.u32 s20, v0;
	[sflag:s19] =	ssyncadd.s32 $0xFFFFFFC0  }
0x15: {  	v6 =	vmov s21;
	v44 =	vor.u32 s21, v0;
	v3 =	vshll.u32 v3, $0x3;
	v5 =	vld [tilespmem:$0x0]  }
0x16: {  	v4 =	vand.u32 $0x5F, v4;
	v42 =	vshll.u32 v6, $0x3;
	v3 =	vand.u32 $0x1C00, v3;
	v43 =	vld [tilespmem:$0x10]  }
0x17: {  	v6 =	vand.u32 $0x6F, v44;
	s6 =	sor.u32 $0x30, s18;
	v1 =	vshll.u32 v40, $0x3;
	v41 =	vor.u32 v3, v4;
	v9 =	vld [tilespmem:$0x20]  }
0x18: {  	v3 =	vand.u32 $0x1C00, v42;
	v7 =	vmov s6;
	v0 =	vor.u32 s6, v0;
	v46 =	vld [tilespmem:$0x30]  }
0x19: {  	v1 =	vand.u32 $0x1C00, v1;
	v7 =	vshll.u32 v7, $0x3;
	v0 =	vand.u32 $0x7F, v0  }
0x1a: {  	v3 =	vor.u32 v3, v6;
	v1 =	vor.u32 v1, v2;
	v7 =	vand.u32 $0x1C00, v7  }
0x1b: {  	v0 =	vor.u32 v7, v0;
	v8 =	vshll.u32 v5, $0xA;
	v5 =	vshll.u32 v5, $0x7  }
0x1c: {  	v47 =	vshll.u32 v43, $0xA;
	v4 =	vshll.u32 v43, $0x7;
	v48 =	vshll.u32 v9, $0xA  }
0x1d: {  	v49 =	vshll.u32 v9, $0x7;
	v50 =	vshll.u32 v46, $0xA;
	v53 =	vshll.u32 v46, $0x7  }
0x1e: {  	v45 =	vand.u32 $0xFFFFE000, v8;
	v5 =	vand.u32 $0x380, v5;
	v6 =	vand.u32 $0xFFFFE000, v47  }
0x1f: {  	v4 =	vand.u32 $0x380, v4;
	v52 =	vand.u32 $0xFFFFE000, v50;
	v1 =	vor.u32 v45, v1  }
0x20: {  	v54 =	vand.u32 $0x380, v53;
	v2 =	vor.u32 v6, v41;
	v1 =	vor.u32 v5, v1  }
0x21: {  	v0 =	vor.u32 v52, v0;
	v2 =	vor.u32 v4, v2;
	v4 =	vand.u32 $0xFFFFE000, v48;
	[tilespmem:$0x100] =	vst v1  }
0x22: {  	v5 =	vand.u32 $0x380, v49;
	v0 =	vor.u32 v54, v0;
	v51 =	vor.u32 v4, v3;
	[tilespmem:$0x110] =	vst v2  }
0x23: {  	s22 =	simm.s32 $0x40;
	[tilespmem:$0x130] =	vst v0;
	v1 =	vor.u32 v5, v51  }
0x24: {  	s23 =	simm.s32 $0x100;
	s24 =	simm.s32 $0x180;
	s25 =	simm.s32 $0x3;
	[tilespmem:$0x120] =	vst v1  }
0x25: {  	[tilespmem:s24], [sflag:$0x1] =	stream.indirect.gather [hbm4b:s5+s22], $0x1, s23, s22, $0xb8;
	[tilespmem:$0x388] =	vst v63  }
0x26: {  	_ =	swait.ge [sflag:s25], $0x40  }
0x27: {  	[sflag:s25] =	ssyncset.done $0x0  }
0x28: {  	s26 =	simm.s32 $0x1;
	[sflag:s25] =	ssyncadd.s32 $0xFFFFFFC0  }
0x29: {  	_ =	swait.ge [sflag:s26], $0x40  }
0x2a: {  	[sflag:s26] =	ssyncset.done $0x0  }
0x2b: {  	[sflag:s26] =	ssyncadd.s32 $0xFFFFFFC0  }
0x2c: {  	v55 =	vld [tilespmem:$0x180]  }
0x2d: {  	v56 =	vld [tilespmem:$0x80]  }
0x2e: {  	v57 =	vld [tilespmem:$0x190]  }
0x2f: {  	v58 =	vld [tilespmem:$0x90]  }
0x30: {  	v59 =	vld [tilespmem:$0x1A0]  }
0x31: {  	v60 =	vld [tilespmem:$0xA0]  }
0x32: {  	v61 =	vld [tilespmem:$0x1B0];
	v0 =	vmul.f32 v56, v55  }
0x33: {  	v62 =	vld [tilespmem:$0xB0]  }
0x34: {  	v2 =	vmul.f32 v58, v57;
	v0 =	vadd.f32 $0.0e+00, v0;
	_ =	sdelay $0x1  }
0x35: {  	v63 =	vmul.f32 v60, v59;
	v0 =	vadd.f32 v2, v0;
	_ =	sdelay $0x1  }
0x36: {  	v1 =	vmul.f32 v62, v61;
	v0 =	vadd.f32 v63, v0;
	_ =	sdelay $0x1  }
0x37: {  	v0 =	vadd.f32 v1, v0  }
0x38: {  	s28 =	simm.s32 $0x10  }
0x39: {  	s29 =	simm.s32 $0x288;
	s30 =	simm.s32 $0x200;
	s31 =	simm.s32 $0x4;
	[tilespmem:$0x200] =	vst v0  }
0x3a: {  	[spmem:s4] =	stream.indirect.scatter.add.f32 [tilespmem:s30], [sflag:$0x4], $0x1, s29, s28, $0xb8;
	[tilespmem:$0x388] =	vst v63  }
0x3b: {  	_ =	swait.ge [sflag:s31], $0x10  }
0x3c: {  	[sflag:s31] =	ssyncset.done $0x0  }
0x3d: {  	[sflag:s31] =	ssyncadd.s32 $0xFFFFFFF0  }
0x3e: {  	[bflag:$0x0] =	sbarrier.arrive $0xFFFF  }
0x3f: {  	_ =	sfence.sel @p0 $0x180000  }
0x40: {  	[bflag:$0x0] =	sbarrier.arrive @p0 $0xFFFF  }
0x41: {  	_ =	strace @p0 $0x90000047  }
0x42: {  	s5 =	simm.s32 @!p0 $0x200;
	[bflag:$0x2] =	sbarrier.arrive @p0 $0xFFFF  }
0x43: {  	v1 =	vimm.s32 @!p0 $0x67452301;
	v0 =	vimm.s32 @!p0 $0xEFCDAB89;
	[tilespmem:s5], [sflag:$0x4] =	stream.linear.gather @!p0 [spmem:s4], $0x80, $0x38;
	[tilespmem:$0x388] =	vst v63  }
0x44: {  	v1 =	vunpack.c.l.s4.s8 @!p0 v1;
	v0 =	vunpack.c.l.s4.s8 @!p0 v0;
	_ =	swait.ge @!p0 [sflag:s2], $0x80  }
0x45: {  	[sflag:s2] =	ssyncset.done @!p0 $0x0  }
0x46: {  	v1 =	vunpack.c.0.s8.s32 @!p0 v1;
	v0 =	vunpack.c.0.s8.s32 @!p0 v0;
	[sflag:s2] =	ssyncadd.s32 @!p0 $0xFFFFFF80  }
0x47: {  	v2 =	vld @!p0 [tilespmem:$0x200]  }
0x48: {  	v3 =	vimm.s32 @!p0 $0x54761032;
	v0 =	vcombine.low @!p0 v1, v0;
	v1 =	vimm.s32 @!p0 $0xDCFE98BA  }
0x49: {  	v3 =	vunpack.c.l.s4.s8 @!p0 v3;
	v1 =	vunpack.c.l.s4.s8 @!p0 v1;
	_ =	sdelay $0x1  }
0x4a: {  	v3 =	vunpack.c.0.s8.s32 @!p0 v3;
	v1 =	vunpack.c.0.s8.s32 @!p0 v1  }
0x4b: {  	v0 =	vperm.xlane @!p0 v2, v0  }
0x4c: {  	v1 =	vcombine.low @!p0 v3, v1  }
0x4d: {  	v3 =	vimm.s32 @!p0 $0x32107654;
	v0 =	vadd.f32 @!p0 v0, v2;
	v2 =	vimm.s32 @!p0 $0xBA98FEDC  }
0x4e: {  	v3 =	vunpack.c.l.s4.s8 @!p0 v3;
	v2 =	vunpack.c.l.s4.s8 @!p0 v2  }
0x4f: {  	v4 =	vimm.s32 @!p0 $0xFEDCBA98  }
0x50: {  	v3 =	vunpack.c.0.s8.s32 @!p0 v3;
	v1 =	vperm.xlane @!p0 v0, v1;
	v2 =	vunpack.c.0.s8.s32 @!p0 v2  }
0x51: {  	v5 =	vimm.s32 @!p0 $0x76543210;
	v4 =	vunpack.c.l.s4.s8 @!p0 v4  }
0x52: {  	v0 =	vadd.f32 @!p0 v1, v0;
	v1 =	vcombine.low @!p0 v3, v2;
	v2 =	vunpack.c.l.s4.s8 @!p0 v5  }
0x53: {  	v3 =	vunpack.c.0.s8.s32 @!p0 v4  }
0x54: {  	v1 =	vperm.xlane @!p0 v0, v1;
	v2 =	vunpack.c.0.s8.s32 @!p0 v2  }
0x55: {  	v3 =	vand.u32 @!p0 $0xF, v3  }
0x56: {  	v0 =	vadd.f32 @!p0 v1, v0;
	v1 =	vcombine.low @!p0 v3, v2;
	_ =	sdelay $0x1  }
0x57: {  	v1 =	vperm.xlane @!p0 v0, v1;
	_ =	sdelay $0x1  }
0x58: {  	v0 =	vadd.f32 @!p0 v1, v0;
	_ =	sdelay $0x1  }
0x59: {  	v0 =	vsub.f32 @!p0 $0.0e+00, v0;
	_ =	sdelay $0x1  }
0x5a: {  	s4 =	simm.s32 @!p0 $0x0;
	[tilespmem:$0x308] =	vst @!p0 v0  }
0x5b: {  	[hbm4b:s1+s4] =	stream.linear.scatter @!p0 [tilespmem:s3], [sflag:$0x4], $0x80, $0x38;
	[tilespmem:$0x388] =	vst v63  }
0x5c: {  	_ =	swait.ge @!p0 [sflag:s2], $0x80  }
0x5d: {  	[sflag:s2] =	ssyncset.done @!p0 $0x0  }
0x5e: {  	[sflag:s2] =	ssyncadd.s32 @!p0 $0xFFFFFF80  }
0x5f: {  	_ =	sfence.sel @!p0 $0x180000  }
0x60: {  	[bflag:$0x0] =	sbarrier.arrive @!p0 $0xFFFF  }
0x61: {  	_ =	strace @!p0 $0x90000047  }
0x62: {  	s0 =	sadd.s32 @!p0 $0x100000, s0;
	[bflag:$0x2] =	sbarrier.arrive @!p0 $0xFFFF  }
0x63: {  	[sflag:s0] =	ssyncadd.tile.s32 @!p0 $0x1;
	_ =	shalt  }
.Lfunc_end2:
_tile_overlayer_lowered:
.L_overlay_start_2:
0x64: {  	(tag) =	ssettag $0x2  }
0x65: {  	s0 =	rddreg [dreg:$0x0];
	s2 =	stileid.u32  }
0x66: {  	s1 =	rddreg [dreg:$0x1];
	p0 =	sne.s32 s2, $0x0  }
0x67: {  	s3 =	rddreg [dreg:$0x2];
	[bflag:$0x3] =	sbarrier.arrive $0xFFFF;
	s2 =	simm.s32 @!p0 $0x1C04  }
0x68: {  	[timem:s3], [sflag:s2] =	dma.local @!p0 [hbm:s0], s1  }
0x69: {  	s0 =	simm.s32 @!p0 $0x4  }
0x6a: {  	_ =	swait.ge @!p0 [sflag:s0], s1  }
0x6b: {  	s1 =	ssub.s32 @!p0 $0x0, s1;
	[sflag:s0] =	ssyncset.done @!p0 $0x0  }
0x6c: {  	[sflag:s0] =	ssyncadd.s32 @!p0 s1  }
0x6d: {  	[bflag:$0x3] =	sbarrier.arrive $0xFFFF  }
0x6e: {  	_ =	shalt  }

</sc_bundles>
